<compile_context>
chip_gen: v7x
topology: tpu7x:2x2x1
jax: 0.10.2.dev20260603
libtpu: 0.0.44.dev20260713+nightly
codegen_flags: <defaults>
</compile_context>

<pallas_src>
import functools

import jax
import jax.numpy as jnp
from jax import lax
from jax.experimental import pallas as pl
from jax.experimental.pallas import tpu as pltpu
from jax.experimental.pallas import tpu_sc as plsc

_VOCAB = 100000
_D = 128
_NP = 20
_B = 4
_T = 2048

_NC = 2
_NS = 16
_NW = _NC * _NS
_TPW = _T // _NW
_ROWS_W = _TPW * _B

_mesh = plsc.VectorSubcoreMesh(
    core_axis_name="c", subcore_axis_name="s", num_cores=_NC, num_subcores=_NS
)


@functools.partial(
    pl.kernel,
    out_type=jax.ShapeDtypeStruct((_NP + _T, _B, _D), jnp.float32),
    mesh=_mesh,
    scratch_types=[
        pltpu.VMEM((_B, _TPW), jnp.int32),
        pltpu.VMEM((_ROWS_W, _D), jnp.float32),
        pltpu.VMEM((1, _D), jnp.float32),
        pltpu.SemaphoreType.DMA,
        pltpu.SemaphoreType.DMA,
        pltpu.SemaphoreType.DMA,
    ],
    compiler_params=pltpu.CompilerParams(use_tc_tiling_on_sc=False),
)
def _soft_prompt_embed(ids_hbm, table_hbm, prompt_hbm, out_hbm,
                       idx_v, rows_v, prm_v, gsem, psem, ssem):
    wid = lax.axis_index("s") * _NC + lax.axis_index("c")
    t0 = wid * _TPW
    blk = t0 // 128
    col = t0 - blk * 128

    pltpu.sync_copy(ids_hbm.at[blk, :, pl.ds(col, _TPW)], idx_v)
    for b in range(_B):
        pltpu.async_copy(
            table_hbm.at[idx_v.at[b]],
            rows_v.at[pl.ds(b * _TPW, _TPW)],
            gsem,
        )

    @pl.when(wid < _NP)
    def _():
        pltpu.async_copy(prompt_hbm.at[pl.ds(wid, 1)], prm_v, psem).wait()
        for b in range(_B):
            pltpu.async_copy(prm_v, out_hbm.at[pl.ds(wid, 1), b], psem)
        for b in range(_B):
            pltpu.make_async_copy(prm_v, out_hbm.at[pl.ds(wid, 1), b], psem).wait()

    for b in range(_B):
        pltpu.make_async_copy(
            table_hbm.at[idx_v.at[b]],
            rows_v.at[pl.ds(b * _TPW, _TPW)],
            gsem,
        ).wait()
        pltpu.async_copy(
            rows_v.at[pl.ds(b * _TPW, _TPW)],
            out_hbm.at[pl.ds(_NP + t0, _TPW), b],
            ssem,
        )
    for b in range(_B):
        pltpu.make_async_copy(
            rows_v.at[pl.ds(b * _TPW, _TPW)],
            out_hbm.at[pl.ds(_NP + t0, _TPW), b],
            ssem,
        ).wait()


def kernel(input_ids, table, soft_prompt):
    ids_blocks = input_ids.astype(jnp.int32).reshape(_B, _T // 128, 128)
    ids_blocks = jnp.transpose(ids_blocks, (1, 0, 2))
    out = _soft_prompt_embed(ids_blocks, table, soft_prompt)
    return jnp.transpose(out, (1, 0, 2))

# --- scband reference (transcript-rebuilt; emitter-appended) ---
"""Pipeline reference for scband-soft-prompt-embedding-65687229825471 (READ-ONLY COPY).

The authoritative reference and input builder live on the scoring server;
editing this copy changes nothing except your own understanding.
"""

import jax, jax.numpy as jnp
import numpy as np

VOCAB = 100000
EMBED_DIM = 128
N_PROMPT = 20
BATCH = 4
SEQ = 2048

def setup_inputs(seed: int = 0) -> dict:
    key = jax.random.key(seed)
    k_ids, k_table, k_prompt = jax.random.split(key, 3)
    input_ids = jax.random.randint(k_ids, (BATCH, SEQ), 0, VOCAB, dtype=jnp.int64 if jax.config.jax_enable_x64 else jnp.int32)
    table = jax.random.normal(k_table, (VOCAB, EMBED_DIM), dtype=jnp.float32)
    soft_prompt = jax.random.normal(k_prompt, (N_PROMPT, EMBED_DIM), dtype=jnp.float32) * 0.02
    return {"input_ids": input_ids, "table": table, "soft_prompt": soft_prompt}

def reference(input_ids, table, soft_prompt):
    # token embedding lookup: gather rows of table
    token_embeds = jnp.take(table, input_ids, axis=0)  # (B, T, D)
    B = input_ids.shape[0]
    prompt = jnp.broadcast_to(soft_prompt[None, :, :], (B, soft_prompt.shape[0], soft_prompt.shape[1]))
    return jnp.concatenate([prompt, token_embeds], axis=1)  # (B, n+T, D)

if __name__ == "__main__":
    import jax
    _d = setup_inputs()
    print(jax.jit(kernel)(*tuple(_d.values())))

</pallas_src>

<mosaic_0001>
#map = affine_map<(d0, d1) -> (0, 0, 0)>
#map1 = affine_map<(d0, d1) -> (0, 0)>
module attributes {stable_mosaic.version = 14 : i64} {
  func.func @_soft_prompt_embed(%arg0: i32, %arg1: i32, %arg2: memref<16x4x128xi32, #tpu.memory_space<hbm>>, %arg3: memref<100000x128xf32, #tpu.memory_space<hbm>>, %arg4: memref<20x128xf32, #tpu.memory_space<hbm>>, %arg5: memref<2068x4x128xf32, #tpu.memory_space<hbm>>, %arg6: memref<4x64xi32, #tpu.memory_space<vmem>>, %arg7: memref<256x128xf32, #tpu.memory_space<vmem>>, %arg8: memref<1x128xf32, #tpu.memory_space<vmem>>, %arg9: memref<!tpu.dma_semaphore, #tpu.memory_space<semaphore_mem>>, %arg10: memref<!tpu.dma_semaphore, #tpu.memory_space<semaphore_mem>>, %arg11: memref<!tpu.dma_semaphore, #tpu.memory_space<semaphore_mem>>) attributes {dimension_semantics = [#tpu.dimension_semantics<core_parallel>, #tpu.dimension_semantics<subcore_parallel>], iteration_bounds = array<i64: 2, 16>, scalar_prefetch = 0 : i64, scratch_operands = 6 : i64, tpu.core_type = #tpu.core_type<sc_vector_subcore>, window_params = [{transform_indices = #map}, {transform_indices = #map1}, {transform_indices = #map1}, {transform_indices = #map}]} {
    %mul3A = arith.constant 2 : i32
    %mul3A_0 = arith.muli %arg1, %mul3A : i32
    %add3A = arith.addi %mul3A_0, %arg0 : i32
    %mul3A_1 = arith.constant 64 : i32
    %mul3A_2 = arith.muli %add3A, %mul3A_1 : i32
    %jit3A = arith.constant 128 : i32
    %div3A = arith.divsi %mul3A_2, %jit3A : i32
    %sign3A = arith.constant 0 : i32
    %sign3A_3 = arith.cmpi sgt, %mul3A_2, %sign3A : i32
    %sign3A_4 = arith.extui %sign3A_3 : i1 to i32
    %sign3A_5 = arith.constant 0 : i32
    %sign3A_6 = arith.cmpi slt, %mul3A_2, %sign3A_5 : i32
    %sign3A_7 = arith.extui %sign3A_6 : i1 to i32
    %sign3A_8 = arith.subi %sign3A_4, %sign3A_7 : i32
    %sign3A_9 = arith.constant 0 : i32
    %sign3A_10 = arith.cmpi sgt, %jit3A, %sign3A_9 : i32
    %sign3A_11 = arith.extui %sign3A_10 : i1 to i32
    %sign3A_12 = arith.constant 0 : i32
    %sign3A_13 = arith.cmpi slt, %jit3A, %sign3A_12 : i32
    %sign3A_14 = arith.extui %sign3A_13 : i1 to i32
    %sign3A_15 = arith.subi %sign3A_11, %sign3A_14 : i32
    %ne3A = arith.cmpi ne, %sign3A_8, %sign3A_15 : i32
    %rem3A = arith.remsi %mul3A_2, %jit3A : i32
    %ne3A_16 = arith.constant 0 : i32
    %ne3A_17 = arith.cmpi ne, %rem3A, %ne3A_16 : i32
    %and3A = arith.andi %ne3A, %ne3A_17 : i1
    %sub3A = arith.constant 1 : i32
    %sub3A_18 = arith.subi %div3A, %sub3A : i32
    %select_n3A = arith.select %and3A, %sub3A_18, %div3A : i32
    %mul3A_19 = arith.constant 128 : i32
    %mul3A_20 = arith.muli %select_n3A, %mul3A_19 : i32
    %sub3A_21 = arith.subi %mul3A_2, %mul3A_20 : i32
    "tpu.region"() ({
      %run_scoped3A = tpu.sem_alloc : memref<!tpu.dma_semaphore, #tpu.memory_space<semaphore_mem>>
      %dma_start3A_222 = arith.constant 0 : i32
      %dma_start3A_223 = tpu.memref_slice %arg2[%select_n3A, %dma_start3A_222, %sub3A_21] : memref<16x4x128xi32, #tpu.memory_space<hbm>> -> memref<1x4x64xi32, #tpu.memory_space<hbm>>
      %dma_start3A_224 = tpu.memref_squeeze %dma_start3A_223 : memref<1x4x64xi32, #tpu.memory_space<hbm>> -> memref<4x64xi32, #tpu.memory_space<hbm>>
      %dma_start3A_225 = arith.constant 0 : i32
      %dma_start3A_226 = tpu.memref_slice %arg2[%select_n3A, %dma_start3A_225, %sub3A_21] : memref<16x4x128xi32, #tpu.memory_space<hbm>> -> memref<1x4x64xi32, #tpu.memory_space<hbm>>
      %dma_start3A_227 = tpu.memref_squeeze %dma_start3A_226 : memref<1x4x64xi32, #tpu.memory_space<hbm>> -> memref<4x64xi32, #tpu.memory_space<hbm>>
      tpu.enqueue_dma source(%dma_start3A_227 : memref<4x64xi32, #tpu.memory_space<hbm>>) target(%arg6 : memref<4x64xi32, #tpu.memory_space<vmem>>) target_semaphore(%run_scoped3A : memref<!tpu.dma_semaphore, #tpu.memory_space<semaphore_mem>>)
      %dma_wait3A_228 = arith.constant 0 : i32
      %dma_wait3A_229 = tpu.memref_slice %arg2[%select_n3A, %dma_wait3A_228, %sub3A_21] : memref<16x4x128xi32, #tpu.memory_space<hbm>> -> memref<1x4x64xi32, #tpu.memory_space<hbm>>
      %dma_wait3A_230 = tpu.memref_squeeze %dma_wait3A_229 : memref<1x4x64xi32, #tpu.memory_space<hbm>> -> memref<4x64xi32, #tpu.memory_space<hbm>>
      %dma_wait3A_231 = arith.constant 0 : i32
      %dma_wait3A_232 = tpu.memref_slice %arg2[%select_n3A, %dma_wait3A_231, %sub3A_21] : memref<16x4x128xi32, #tpu.memory_space<hbm>> -> memref<1x4x64xi32, #tpu.memory_space<hbm>>
      %dma_wait3A_233 = tpu.memref_squeeze %dma_wait3A_232 : memref<1x4x64xi32, #tpu.memory_space<hbm>> -> memref<4x64xi32, #tpu.memory_space<hbm>>
      tpu.wait_dma2 semaphore(%run_scoped3A : memref<!tpu.dma_semaphore, #tpu.memory_space<semaphore_mem>>) src(%dma_wait3A_233 : memref<4x64xi32, #tpu.memory_space<hbm>>) dst(%arg6 : memref<4x64xi32, #tpu.memory_space<vmem>>)
      tpu.yield
    }) : () -> ()
    %dma_start3A = arith.constant 0 : i32
    %dma_start3A_22 = arith.constant 0 : i32
    %dma_start3A_23 = arith.constant 0 : i32
    %dma_start3A_24 = tpu.memref_slice %arg7[%dma_start3A_22, %dma_start3A_23] : memref<256x128xf32, #tpu.memory_space<vmem>> -> memref<64x128xf32, #tpu.memory_space<vmem>>
    %dma_start3A_25 = arith.constant 0 : i32
    %dma_start3A_26 = tpu.memref_slice %arg6[%dma_start3A, %dma_start3A_25] : memref<4x64xi32, #tpu.memory_space<vmem>> -> memref<1x64xi32, #tpu.memory_space<vmem>>
    %dma_start3A_27 = tpu.memref_squeeze %dma_start3A_26 : memref<1x64xi32, #tpu.memory_space<vmem>> -> memref<64xi32, #tpu.memory_space<vmem>>
    %dma_start3A_28 = arith.constant 0 : i32
    %dma_start3A_29 = arith.constant 0 : i32
    %dma_start3A_30 = tpu.memref_slice %arg3[%dma_start3A_28, %dma_start3A_29] : memref<100000x128xf32, #tpu.memory_space<hbm>> -> memref<100000x128xf32, #tpu.memory_space<hbm>>
    tpu.enqueue_indirect_dma source(%dma_start3A_30 : memref<100000x128xf32, #tpu.memory_space<hbm>>) target(%dma_start3A_24 : memref<64x128xf32, #tpu.memory_space<vmem>>) offsets(%dma_start3A_27 : memref<64xi32, #tpu.memory_space<vmem>>) semaphore(%arg9 : memref<!tpu.dma_semaphore, #tpu.memory_space<semaphore_mem>>)
    %dma_start3A_31 = arith.constant 1 : i32
    %dma_start3A_32 = arith.constant 64 : i32
    %dma_start3A_33 = arith.constant 0 : i32
    %dma_start3A_34 = tpu.memref_slice %arg7[%dma_start3A_32, %dma_start3A_33] : memref<256x128xf32, #tpu.memory_space<vmem>> -> memref<64x128xf32, #tpu.memory_space<vmem>>
    %dma_start3A_35 = arith.constant 0 : i32
    %dma_start3A_36 = tpu.memref_slice %arg6[%dma_start3A_31, %dma_start3A_35] : memref<4x64xi32, #tpu.memory_space<vmem>> -> memref<1x64xi32, #tpu.memory_space<vmem>>
    %dma_start3A_37 = tpu.memref_squeeze %dma_start3A_36 : memref<1x64xi32, #tpu.memory_space<vmem>> -> memref<64xi32, #tpu.memory_space<vmem>>
    %dma_start3A_38 = arith.constant 0 : i32
    %dma_start3A_39 = arith.constant 0 : i32
    %dma_start3A_40 = tpu.memref_slice %arg3[%dma_start3A_38, %dma_start3A_39] : memref<100000x128xf32, #tpu.memory_space<hbm>> -> memref<100000x128xf32, #tpu.memory_space<hbm>>
    tpu.enqueue_indirect_dma source(%dma_start3A_40 : memref<100000x128xf32, #tpu.memory_space<hbm>>) target(%dma_start3A_34 : memref<64x128xf32, #tpu.memory_space<vmem>>) offsets(%dma_start3A_37 : memref<64xi32, #tpu.memory_space<vmem>>) semaphore(%arg9 : memref<!tpu.dma_semaphore, #tpu.memory_space<semaphore_mem>>)
    %dma_start3A_41 = arith.constant 2 : i32
    %dma_start3A_42 = arith.constant 128 : i32
    %dma_start3A_43 = arith.constant 0 : i32
    %dma_start3A_44 = tpu.memref_slice %arg7[%dma_start3A_42, %dma_start3A_43] : memref<256x128xf32, #tpu.memory_space<vmem>> -> memref<64x128xf32, #tpu.memory_space<vmem>>
    %dma_start3A_45 = arith.constant 0 : i32
    %dma_start3A_46 = tpu.memref_slice %arg6[%dma_start3A_41, %dma_start3A_45] : memref<4x64xi32, #tpu.memory_space<vmem>> -> memref<1x64xi32, #tpu.memory_space<vmem>>
    %dma_start3A_47 = tpu.memref_squeeze %dma_start3A_46 : memref<1x64xi32, #tpu.memory_space<vmem>> -> memref<64xi32, #tpu.memory_space<vmem>>
    %dma_start3A_48 = arith.constant 0 : i32
    %dma_start3A_49 = arith.constant 0 : i32
    %dma_start3A_50 = tpu.memref_slice %arg3[%dma_start3A_48, %dma_start3A_49] : memref<100000x128xf32, #tpu.memory_space<hbm>> -> memref<100000x128xf32, #tpu.memory_space<hbm>>
    tpu.enqueue_indirect_dma source(%dma_start3A_50 : memref<100000x128xf32, #tpu.memory_space<hbm>>) target(%dma_start3A_44 : memref<64x128xf32, #tpu.memory_space<vmem>>) offsets(%dma_start3A_47 : memref<64xi32, #tpu.memory_space<vmem>>) semaphore(%arg9 : memref<!tpu.dma_semaphore, #tpu.memory_space<semaphore_mem>>)
    %dma_start3A_51 = arith.constant 3 : i32
    %dma_start3A_52 = arith.constant 192 : i32
    %dma_start3A_53 = arith.constant 0 : i32
    %dma_start3A_54 = tpu.memref_slice %arg7[%dma_start3A_52, %dma_start3A_53] : memref<256x128xf32, #tpu.memory_space<vmem>> -> memref<64x128xf32, #tpu.memory_space<vmem>>
    %dma_start3A_55 = arith.constant 0 : i32
    %dma_start3A_56 = tpu.memref_slice %arg6[%dma_start3A_51, %dma_start3A_55] : memref<4x64xi32, #tpu.memory_space<vmem>> -> memref<1x64xi32, #tpu.memory_space<vmem>>
    %dma_start3A_57 = tpu.memref_squeeze %dma_start3A_56 : memref<1x64xi32, #tpu.memory_space<vmem>> -> memref<64xi32, #tpu.memory_space<vmem>>
    %dma_start3A_58 = arith.constant 0 : i32
    %dma_start3A_59 = arith.constant 0 : i32
    %dma_start3A_60 = tpu.memref_slice %arg3[%dma_start3A_58, %dma_start3A_59] : memref<100000x128xf32, #tpu.memory_space<hbm>> -> memref<100000x128xf32, #tpu.memory_space<hbm>>
    tpu.enqueue_indirect_dma source(%dma_start3A_60 : memref<100000x128xf32, #tpu.memory_space<hbm>>) target(%dma_start3A_54 : memref<64x128xf32, #tpu.memory_space<vmem>>) offsets(%dma_start3A_57 : memref<64xi32, #tpu.memory_space<vmem>>) semaphore(%arg9 : memref<!tpu.dma_semaphore, #tpu.memory_space<semaphore_mem>>)
    %lt3A = arith.constant 20 : i32
    %lt3A_61 = arith.cmpi slt, %add3A, %lt3A : i32
    %convert_element_type3A = arith.extui %lt3A_61 : i1 to i32
    %cond3A = arith.constant 0 : i32
    %cond3A_62 = arith.cmpi ne, %convert_element_type3A, %cond3A : i32
    scf.if %cond3A_62 {
      %dma_start3A_222 = arith.constant 0 : i32
      %dma_start3A_223 = tpu.memref_slice %arg4[%add3A, %dma_start3A_222] : memref<20x128xf32, #tpu.memory_space<hbm>> -> memref<1x128xf32, #tpu.memory_space<hbm>>
      %dma_start3A_224 = arith.constant 0 : i32
      %dma_start3A_225 = tpu.memref_slice %arg4[%add3A, %dma_start3A_224] : memref<20x128xf32, #tpu.memory_space<hbm>> -> memref<1x128xf32, #tpu.memory_space<hbm>>
      tpu.enqueue_dma source(%dma_start3A_225 : memref<1x128xf32, #tpu.memory_space<hbm>>) target(%arg8 : memref<1x128xf32, #tpu.memory_space<vmem>>) target_semaphore(%arg10 : memref<!tpu.dma_semaphore, #tpu.memory_space<semaphore_mem>>)
      %dma_wait3A_226 = arith.constant 0 : i32
      %dma_wait3A_227 = tpu.memref_slice %arg4[%add3A, %dma_wait3A_226] : memref<20x128xf32, #tpu.memory_space<hbm>> -> memref<1x128xf32, #tpu.memory_space<hbm>>
      %dma_wait3A_228 = arith.constant 0 : i32
      %dma_wait3A_229 = tpu.memref_slice %arg4[%add3A, %dma_wait3A_228] : memref<20x128xf32, #tpu.memory_space<hbm>> -> memref<1x128xf32, #tpu.memory_space<hbm>>
      tpu.wait_dma2 semaphore(%arg10 : memref<!tpu.dma_semaphore, #tpu.memory_space<semaphore_mem>>) src(%dma_wait3A_229 : memref<1x128xf32, #tpu.memory_space<hbm>>) dst(%arg8 : memref<1x128xf32, #tpu.memory_space<vmem>>)
      %dma_start3A_230 = arith.constant 0 : i32
      %dma_start3A_231 = arith.constant 0 : i32
      %dma_start3A_232 = tpu.memref_slice %arg5[%add3A, %dma_start3A_230, %dma_start3A_231] : memref<2068x4x128xf32, #tpu.memory_space<hbm>> -> memref<1x1x128xf32, #tpu.memory_space<hbm>>
      %dma_start3A_233 = tpu.memref_squeeze %dma_start3A_232 : memref<1x1x128xf32, #tpu.memory_space<hbm>> -> memref<1x128xf32, #tpu.memory_space<hbm>>
      %dma_start3A_234 = arith.constant 0 : i32
      %dma_start3A_235 = tpu.memref_slice %arg5[%add3A, %dma_start3A_230, %dma_start3A_234] : memref<2068x4x128xf32, #tpu.memory_space<hbm>> -> memref<1x1x128xf32, #tpu.memory_space<hbm>>
      %dma_start3A_236 = tpu.memref_squeeze %dma_start3A_235 : memref<1x1x128xf32, #tpu.memory_space<hbm>> -> memref<1x128xf32, #tpu.memory_space<hbm>>
      tpu.enqueue_dma source(%arg8 : memref<1x128xf32, #tpu.memory_space<vmem>>) target(%dma_start3A_236 : memref<1x128xf32, #tpu.memory_space<hbm>>) target_semaphore(%arg10 : memref<!tpu.dma_semaphore, #tpu.memory_space<semaphore_mem>>)
      %dma_start3A_237 = arith.constant 1 : i32
      %dma_start3A_238 = arith.constant 0 : i32
      %dma_start3A_239 = tpu.memref_slice %arg5[%add3A, %dma_start3A_237, %dma_start3A_238] : memref<2068x4x128xf32, #tpu.memory_space<hbm>> -> memref<1x1x128xf32, #tpu.memory_space<hbm>>
      %dma_start3A_240 = tpu.memref_squeeze %dma_start3A_239 : memref<1x1x128xf32, #tpu.memory_space<hbm>> -> memref<1x128xf32, #tpu.memory_space<hbm>>
      %dma_start3A_241 = arith.constant 0 : i32
      %dma_start3A_242 = tpu.memref_slice %arg5[%add3A, %dma_start3A_237, %dma_start3A_241] : memref<2068x4x128xf32, #tpu.memory_space<hbm>> -> memref<1x1x128xf32, #tpu.memory_space<hbm>>
      %dma_start3A_243 = tpu.memref_squeeze %dma_start3A_242 : memref<1x1x128xf32, #tpu.memory_space<hbm>> -> memref<1x128xf32, #tpu.memory_space<hbm>>
      tpu.enqueue_dma source(%arg8 : memref<1x128xf32, #tpu.memory_space<vmem>>) target(%dma_start3A_243 : memref<1x128xf32, #tpu.memory_space<hbm>>) target_semaphore(%arg10 : memref<!tpu.dma_semaphore, #tpu.memory_space<semaphore_mem>>)
      %dma_start3A_244 = arith.constant 2 : i32
      %dma_start3A_245 = arith.constant 0 : i32
      %dma_start3A_246 = tpu.memref_slice %arg5[%add3A, %dma_start3A_244, %dma_start3A_245] : memref<2068x4x128xf32, #tpu.memory_space<hbm>> -> memref<1x1x128xf32, #tpu.memory_space<hbm>>
      %dma_start3A_247 = tpu.memref_squeeze %dma_start3A_246 : memref<1x1x128xf32, #tpu.memory_space<hbm>> -> memref<1x128xf32, #tpu.memory_space<hbm>>
      %dma_start3A_248 = arith.constant 0 : i32
      %dma_start3A_249 = tpu.memref_slice %arg5[%add3A, %dma_start3A_244, %dma_start3A_248] : memref<2068x4x128xf32, #tpu.memory_space<hbm>> -> memref<1x1x128xf32, #tpu.memory_space<hbm>>
      %dma_start3A_250 = tpu.memref_squeeze %dma_start3A_249 : memref<1x1x128xf32, #tpu.memory_space<hbm>> -> memref<1x128xf32, #tpu.memory_space<hbm>>
      tpu.enqueue_dma source(%arg8 : memref<1x128xf32, #tpu.memory_space<vmem>>) target(%dma_start3A_250 : memref<1x128xf32, #tpu.memory_space<hbm>>) target_semaphore(%arg10 : memref<!tpu.dma_semaphore, #tpu.memory_space<semaphore_mem>>)
      %dma_start3A_251 = arith.constant 3 : i32
      %dma_start3A_252 = arith.constant 0 : i32
      %dma_start3A_253 = tpu.memref_slice %arg5[%add3A, %dma_start3A_251, %dma_start3A_252] : memref<2068x4x128xf32, #tpu.memory_space<hbm>> -> memref<1x1x128xf32, #tpu.memory_space<hbm>>
      %dma_start3A_254 = tpu.memref_squeeze %dma_start3A_253 : memref<1x1x128xf32, #tpu.memory_space<hbm>> -> memref<1x128xf32, #tpu.memory_space<hbm>>
      %dma_start3A_255 = arith.constant 0 : i32
      %dma_start3A_256 = tpu.memref_slice %arg5[%add3A, %dma_start3A_251, %dma_start3A_255] : memref<2068x4x128xf32, #tpu.memory_space<hbm>> -> memref<1x1x128xf32, #tpu.memory_space<hbm>>
      %dma_start3A_257 = tpu.memref_squeeze %dma_start3A_256 : memref<1x1x128xf32, #tpu.memory_space<hbm>> -> memref<1x128xf32, #tpu.memory_space<hbm>>
      tpu.enqueue_dma source(%arg8 : memref<1x128xf32, #tpu.memory_space<vmem>>) target(%dma_start3A_257 : memref<1x128xf32, #tpu.memory_space<hbm>>) target_semaphore(%arg10 : memref<!tpu.dma_semaphore, #tpu.memory_space<semaphore_mem>>)
      %dma_wait3A_258 = arith.constant 0 : i32
      %dma_wait3A_259 = arith.constant 0 : i32
      %dma_wait3A_260 = tpu.memref_slice %arg5[%add3A, %dma_wait3A_258, %dma_wait3A_259] : memref<2068x4x128xf32, #tpu.memory_space<hbm>> -> memref<1x1x128xf32, #tpu.memory_space<hbm>>
      %dma_wait3A_261 = tpu.memref_squeeze %dma_wait3A_260 : memref<1x1x128xf32, #tpu.memory_space<hbm>> -> memref<1x128xf32, #tpu.memory_space<hbm>>
      %dma_wait3A_262 = arith.constant 0 : i32
      %dma_wait3A_263 = tpu.memref_slice %arg5[%add3A, %dma_wait3A_258, %dma_wait3A_262] : memref<2068x4x128xf32, #tpu.memory_space<hbm>> -> memref<1x1x128xf32, #tpu.memory_space<hbm>>
      %dma_wait3A_264 = tpu.memref_squeeze %dma_wait3A_263 : memref<1x1x128xf32, #tpu.memory_space<hbm>> -> memref<1x128xf32, #tpu.memory_space<hbm>>
      tpu.wait_dma2 semaphore(%arg10 : memref<!tpu.dma_semaphore, #tpu.memory_space<semaphore_mem>>) src(%arg8 : memref<1x128xf32, #tpu.memory_space<vmem>>) dst(%dma_wait3A_264 : memref<1x128xf32, #tpu.memory_space<hbm>>)
      %dma_wait3A_265 = arith.constant 1 : i32
      %dma_wait3A_266 = arith.constant 0 : i32
      %dma_wait3A_267 = tpu.memref_slice %arg5[%add3A, %dma_wait3A_265, %dma_wait3A_266] : memref<2068x4x128xf32, #tpu.memory_space<hbm>> -> memref<1x1x128xf32, #tpu.memory_space<hbm>>
      %dma_wait3A_268 = tpu.memref_squeeze %dma_wait3A_267 : memref<1x1x128xf32, #tpu.memory_space<hbm>> -> memref<1x128xf32, #tpu.memory_space<hbm>>
      %dma_wait3A_269 = arith.constant 0 : i32
      %dma_wait3A_270 = tpu.memref_slice %arg5[%add3A, %dma_wait3A_265, %dma_wait3A_269] : memref<2068x4x128xf32, #tpu.memory_space<hbm>> -> memref<1x1x128xf32, #tpu.memory_space<hbm>>
      %dma_wait3A_271 = tpu.memref_squeeze %dma_wait3A_270 : memref<1x1x128xf32, #tpu.memory_space<hbm>> -> memref<1x128xf32, #tpu.memory_space<hbm>>
      tpu.wait_dma2 semaphore(%arg10 : memref<!tpu.dma_semaphore, #tpu.memory_space<semaphore_mem>>) src(%arg8 : memref<1x128xf32, #tpu.memory_space<vmem>>) dst(%dma_wait3A_271 : memref<1x128xf32, #tpu.memory_space<hbm>>)
      %dma_wait3A_272 = arith.constant 2 : i32
      %dma_wait3A_273 = arith.constant 0 : i32
      %dma_wait3A_274 = tpu.memref_slice %arg5[%add3A, %dma_wait3A_272, %dma_wait3A_273] : memref<2068x4x128xf32, #tpu.memory_space<hbm>> -> memref<1x1x128xf32, #tpu.memory_space<hbm>>
      %dma_wait3A_275 = tpu.memref_squeeze %dma_wait3A_274 : memref<1x1x128xf32, #tpu.memory_space<hbm>> -> memref<1x128xf32, #tpu.memory_space<hbm>>
      %dma_wait3A_276 = arith.constant 0 : i32
      %dma_wait3A_277 = tpu.memref_slice %arg5[%add3A, %dma_wait3A_272, %dma_wait3A_276] : memref<2068x4x128xf32, #tpu.memory_space<hbm>> -> memref<1x1x128xf32, #tpu.memory_space<hbm>>
      %dma_wait3A_278 = tpu.memref_squeeze %dma_wait3A_277 : memref<1x1x128xf32, #tpu.memory_space<hbm>> -> memref<1x128xf32, #tpu.memory_space<hbm>>
      tpu.wait_dma2 semaphore(%arg10 : memref<!tpu.dma_semaphore, #tpu.memory_space<semaphore_mem>>) src(%arg8 : memref<1x128xf32, #tpu.memory_space<vmem>>) dst(%dma_wait3A_278 : memref<1x128xf32, #tpu.memory_space<hbm>>)
      %dma_wait3A_279 = arith.constant 3 : i32
      %dma_wait3A_280 = arith.constant 0 : i32
      %dma_wait3A_281 = tpu.memref_slice %arg5[%add3A, %dma_wait3A_279, %dma_wait3A_280] : memref<2068x4x128xf32, #tpu.memory_space<hbm>> -> memref<1x1x128xf32, #tpu.memory_space<hbm>>
      %dma_wait3A_282 = tpu.memref_squeeze %dma_wait3A_281 : memref<1x1x128xf32, #tpu.memory_space<hbm>> -> memref<1x128xf32, #tpu.memory_space<hbm>>
      %dma_wait3A_283 = arith.constant 0 : i32
      %dma_wait3A_284 = tpu.memref_slice %arg5[%add3A, %dma_wait3A_279, %dma_wait3A_283] : memref<2068x4x128xf32, #tpu.memory_space<hbm>> -> memref<1x1x128xf32, #tpu.memory_space<hbm>>
      %dma_wait3A_285 = tpu.memref_squeeze %dma_wait3A_284 : memref<1x1x128xf32, #tpu.memory_space<hbm>> -> memref<1x128xf32, #tpu.memory_space<hbm>>
      tpu.wait_dma2 semaphore(%arg10 : memref<!tpu.dma_semaphore, #tpu.memory_space<semaphore_mem>>) src(%arg8 : memref<1x128xf32, #tpu.memory_space<vmem>>) dst(%dma_wait3A_285 : memref<1x128xf32, #tpu.memory_space<hbm>>)
    } else {
    }
    %dma_wait3A = arith.constant 0 : i32
    %dma_wait3A_63 = arith.constant 0 : i32
    %dma_wait3A_64 = arith.constant 0 : i32
    %dma_wait3A_65 = tpu.memref_slice %arg7[%dma_wait3A_63, %dma_wait3A_64] : memref<256x128xf32, #tpu.memory_space<vmem>> -> memref<64x128xf32, #tpu.memory_space<vmem>>
    %dma_wait3A_66 = arith.constant 0 : i32
    %dma_wait3A_67 = tpu.memref_slice %arg6[%dma_wait3A, %dma_wait3A_66] : memref<4x64xi32, #tpu.memory_space<vmem>> -> memref<1x64xi32, #tpu.memory_space<vmem>>
    %dma_wait3A_68 = tpu.memref_squeeze %dma_wait3A_67 : memref<1x64xi32, #tpu.memory_space<vmem>> -> memref<64xi32, #tpu.memory_space<vmem>>
    %dma_wait3A_69 = arith.constant 0 : i32
    %dma_wait3A_70 = arith.constant 0 : i32
    %dma_wait3A_71 = tpu.memref_slice %arg3[%dma_wait3A_69, %dma_wait3A_70] : memref<100000x128xf32, #tpu.memory_space<hbm>> -> memref<100000x128xf32, #tpu.memory_space<hbm>>
    tpu.wait_indirect_dma semaphore(%arg9 : memref<!tpu.dma_semaphore, #tpu.memory_space<semaphore_mem>>) src(%dma_wait3A_71 : memref<100000x128xf32, #tpu.memory_space<hbm>>) dst(%dma_wait3A_65 : memref<64x128xf32, #tpu.memory_space<vmem>>)
    %add3A_72 = arith.constant 20 : i32
    %add3A_73 = arith.addi %add3A_72, %mul3A_2 : i32
    %dma_start3A_74 = arith.constant 0 : i32
    %dma_start3A_75 = arith.constant 0 : i32
    %dma_start3A_76 = arith.constant 0 : i32
    %dma_start3A_77 = tpu.memref_slice %arg7[%dma_start3A_75, %dma_start3A_76] : memref<256x128xf32, #tpu.memory_space<vmem>> -> memref<64x128xf32, #tpu.memory_space<vmem>>
    %dma_start3A_78 = arith.constant 0 : i32
    %dma_start3A_79 = tpu.memref_slice %arg5[%add3A_73, %dma_start3A_74, %dma_start3A_78] : memref<2068x4x128xf32, #tpu.memory_space<hbm>> -> memref<64x1x128xf32, #tpu.memory_space<hbm>>
    %dma_start3A_80 = tpu.memref_squeeze %dma_start3A_79 : memref<64x1x128xf32, #tpu.memory_space<hbm>> -> memref<64x128xf32, #tpu.memory_space<hbm>>
    %dma_start3A_81 = arith.constant 0 : i32
    %dma_start3A_82 = tpu.memref_slice %arg5[%add3A_73, %dma_start3A_74, %dma_start3A_81] : memref<2068x4x128xf32, #tpu.memory_space<hbm>> -> memref<64x1x128xf32, #tpu.memory_space<hbm>>
    %dma_start3A_83 = tpu.memref_squeeze %dma_start3A_82 : memref<64x1x128xf32, #tpu.memory_space<hbm>> -> memref<64x128xf32, #tpu.memory_space<hbm>>
    %dma_start3A_84 = arith.constant 0 : i32
    %dma_start3A_85 = arith.constant 0 : i32
    %dma_start3A_86 = tpu.memref_slice %arg7[%dma_start3A_84, %dma_start3A_85] : memref<256x128xf32, #tpu.memory_space<vmem>> -> memref<64x128xf32, #tpu.memory_space<vmem>>
    tpu.enqueue_dma source(%dma_start3A_86 : memref<64x128xf32, #tpu.memory_space<vmem>>) target(%dma_start3A_83 : memref<64x128xf32, #tpu.memory_space<hbm>>) target_semaphore(%arg11 : memref<!tpu.dma_semaphore, #tpu.memory_space<semaphore_mem>>)
    %dma_wait3A_87 = arith.constant 1 : i32
    %dma_wait3A_88 = arith.constant 64 : i32
    %dma_wait3A_89 = arith.constant 0 : i32
    %dma_wait3A_90 = tpu.memref_slice %arg7[%dma_wait3A_88, %dma_wait3A_89] : memref<256x128xf32, #tpu.memory_space<vmem>> -> memref<64x128xf32, #tpu.memory_space<vmem>>
    %dma_wait3A_91 = arith.constant 0 : i32
    %dma_wait3A_92 = tpu.memref_slice %arg6[%dma_wait3A_87, %dma_wait3A_91] : memref<4x64xi32, #tpu.memory_space<vmem>> -> memref<1x64xi32, #tpu.memory_space<vmem>>
    %dma_wait3A_93 = tpu.memref_squeeze %dma_wait3A_92 : memref<1x64xi32, #tpu.memory_space<vmem>> -> memref<64xi32, #tpu.memory_space<vmem>>
    %dma_wait3A_94 = arith.constant 0 : i32
    %dma_wait3A_95 = arith.constant 0 : i32
    %dma_wait3A_96 = tpu.memref_slice %arg3[%dma_wait3A_94, %dma_wait3A_95] : memref<100000x128xf32, #tpu.memory_space<hbm>> -> memref<100000x128xf32, #tpu.memory_space<hbm>>
    tpu.wait_indirect_dma semaphore(%arg9 : memref<!tpu.dma_semaphore, #tpu.memory_space<semaphore_mem>>) src(%dma_wait3A_96 : memref<100000x128xf32, #tpu.memory_space<hbm>>) dst(%dma_wait3A_90 : memref<64x128xf32, #tpu.memory_space<vmem>>)
    %add3A_97 = arith.constant 20 : i32
    %add3A_98 = arith.addi %add3A_97, %mul3A_2 : i32
    %dma_start3A_99 = arith.constant 1 : i32
    %dma_start3A_100 = arith.constant 64 : i32
    %dma_start3A_101 = arith.constant 0 : i32
    %dma_start3A_102 = tpu.memref_slice %arg7[%dma_start3A_100, %dma_start3A_101] : memref<256x128xf32, #tpu.memory_space<vmem>> -> memref<64x128xf32, #tpu.memory_space<vmem>>
    %dma_start3A_103 = arith.constant 0 : i32
    %dma_start3A_104 = tpu.memref_slice %arg5[%add3A_98, %dma_start3A_99, %dma_start3A_103] : memref<2068x4x128xf32, #tpu.memory_space<hbm>> -> memref<64x1x128xf32, #tpu.memory_space<hbm>>
    %dma_start3A_105 = tpu.memref_squeeze %dma_start3A_104 : memref<64x1x128xf32, #tpu.memory_space<hbm>> -> memref<64x128xf32, #tpu.memory_space<hbm>>
    %dma_start3A_106 = arith.constant 0 : i32
    %dma_start3A_107 = tpu.memref_slice %arg5[%add3A_98, %dma_start3A_99, %dma_start3A_106] : memref<2068x4x128xf32, #tpu.memory_space<hbm>> -> memref<64x1x128xf32, #tpu.memory_space<hbm>>
    %dma_start3A_108 = tpu.memref_squeeze %dma_start3A_107 : memref<64x1x128xf32, #tpu.memory_space<hbm>> -> memref<64x128xf32, #tpu.memory_space<hbm>>
    %dma_start3A_109 = arith.constant 64 : i32
    %dma_start3A_110 = arith.constant 0 : i32
    %dma_start3A_111 = tpu.memref_slice %arg7[%dma_start3A_109, %dma_start3A_110] : memref<256x128xf32, #tpu.memory_space<vmem>> -> memref<64x128xf32, #tpu.memory_space<vmem>>
    tpu.enqueue_dma source(%dma_start3A_111 : memref<64x128xf32, #tpu.memory_space<vmem>>) target(%dma_start3A_108 : memref<64x128xf32, #tpu.memory_space<hbm>>) target_semaphore(%arg11 : memref<!tpu.dma_semaphore, #tpu.memory_space<semaphore_mem>>)
    %dma_wait3A_112 = arith.constant 2 : i32
    %dma_wait3A_113 = arith.constant 128 : i32
    %dma_wait3A_114 = arith.constant 0 : i32
    %dma_wait3A_115 = tpu.memref_slice %arg7[%dma_wait3A_113, %dma_wait3A_114] : memref<256x128xf32, #tpu.memory_space<vmem>> -> memref<64x128xf32, #tpu.memory_space<vmem>>
    %dma_wait3A_116 = arith.constant 0 : i32
    %dma_wait3A_117 = tpu.memref_slice %arg6[%dma_wait3A_112, %dma_wait3A_116] : memref<4x64xi32, #tpu.memory_space<vmem>> -> memref<1x64xi32, #tpu.memory_space<vmem>>
    %dma_wait3A_118 = tpu.memref_squeeze %dma_wait3A_117 : memref<1x64xi32, #tpu.memory_space<vmem>> -> memref<64xi32, #tpu.memory_space<vmem>>
    %dma_wait3A_119 = arith.constant 0 : i32
    %dma_wait3A_120 = arith.constant 0 : i32
    %dma_wait3A_121 = tpu.memref_slice %arg3[%dma_wait3A_119, %dma_wait3A_120] : memref<100000x128xf32, #tpu.memory_space<hbm>> -> memref<100000x128xf32, #tpu.memory_space<hbm>>
    tpu.wait_indirect_dma semaphore(%arg9 : memref<!tpu.dma_semaphore, #tpu.memory_space<semaphore_mem>>) src(%dma_wait3A_121 : memref<100000x128xf32, #tpu.memory_space<hbm>>) dst(%dma_wait3A_115 : memref<64x128xf32, #tpu.memory_space<vmem>>)
    %add3A_122 = arith.constant 20 : i32
    %add3A_123 = arith.addi %add3A_122, %mul3A_2 : i32
    %dma_start3A_124 = arith.constant 2 : i32
    %dma_start3A_125 = arith.constant 128 : i32
    %dma_start3A_126 = arith.constant 0 : i32
    %dma_start3A_127 = tpu.memref_slice %arg7[%dma_start3A_125, %dma_start3A_126] : memref<256x128xf32, #tpu.memory_space<vmem>> -> memref<64x128xf32, #tpu.memory_space<vmem>>
    %dma_start3A_128 = arith.constant 0 : i32
    %dma_start3A_129 = tpu.memref_slice %arg5[%add3A_123, %dma_start3A_124, %dma_start3A_128] : memref<2068x4x128xf32, #tpu.memory_space<hbm>> -> memref<64x1x128xf32, #tpu.memory_space<hbm>>
    %dma_start3A_130 = tpu.memref_squeeze %dma_start3A_129 : memref<64x1x128xf32, #tpu.memory_space<hbm>> -> memref<64x128xf32, #tpu.memory_space<hbm>>
    %dma_start3A_131 = arith.constant 0 : i32
    %dma_start3A_132 = tpu.memref_slice %arg5[%add3A_123, %dma_start3A_124, %dma_start3A_131] : memref<2068x4x128xf32, #tpu.memory_space<hbm>> -> memref<64x1x128xf32, #tpu.memory_space<hbm>>
    %dma_start3A_133 = tpu.memref_squeeze %dma_start3A_132 : memref<64x1x128xf32, #tpu.memory_space<hbm>> -> memref<64x128xf32, #tpu.memory_space<hbm>>
    %dma_start3A_134 = arith.constant 128 : i32
    %dma_start3A_135 = arith.constant 0 : i32
    %dma_start3A_136 = tpu.memref_slice %arg7[%dma_start3A_134, %dma_start3A_135] : memref<256x128xf32, #tpu.memory_space<vmem>> -> memref<64x128xf32, #tpu.memory_space<vmem>>
    tpu.enqueue_dma source(%dma_start3A_136 : memref<64x128xf32, #tpu.memory_space<vmem>>) target(%dma_start3A_133 : memref<64x128xf32, #tpu.memory_space<hbm>>) target_semaphore(%arg11 : memref<!tpu.dma_semaphore, #tpu.memory_space<semaphore_mem>>)
    %dma_wait3A_137 = arith.constant 3 : i32
    %dma_wait3A_138 = arith.constant 192 : i32
    %dma_wait3A_139 = arith.constant 0 : i32
    %dma_wait3A_140 = tpu.memref_slice %arg7[%dma_wait3A_138, %dma_wait3A_139] : memref<256x128xf32, #tpu.memory_space<vmem>> -> memref<64x128xf32, #tpu.memory_space<vmem>>
    %dma_wait3A_141 = arith.constant 0 : i32
    %dma_wait3A_142 = tpu.memref_slice %arg6[%dma_wait3A_137, %dma_wait3A_141] : memref<4x64xi32, #tpu.memory_space<vmem>> -> memref<1x64xi32, #tpu.memory_space<vmem>>
    %dma_wait3A_143 = tpu.memref_squeeze %dma_wait3A_142 : memref<1x64xi32, #tpu.memory_space<vmem>> -> memref<64xi32, #tpu.memory_space<vmem>>
    %dma_wait3A_144 = arith.constant 0 : i32
    %dma_wait3A_145 = arith.constant 0 : i32
    %dma_wait3A_146 = tpu.memref_slice %arg3[%dma_wait3A_144, %dma_wait3A_145] : memref<100000x128xf32, #tpu.memory_space<hbm>> -> memref<100000x128xf32, #tpu.memory_space<hbm>>
    tpu.wait_indirect_dma semaphore(%arg9 : memref<!tpu.dma_semaphore, #tpu.memory_space<semaphore_mem>>) src(%dma_wait3A_146 : memref<100000x128xf32, #tpu.memory_space<hbm>>) dst(%dma_wait3A_140 : memref<64x128xf32, #tpu.memory_space<vmem>>)
    %add3A_147 = arith.constant 20 : i32
    %add3A_148 = arith.addi %add3A_147, %mul3A_2 : i32
    %dma_start3A_149 = arith.constant 3 : i32
    %dma_start3A_150 = arith.constant 192 : i32
    %dma_start3A_151 = arith.constant 0 : i32
    %dma_start3A_152 = tpu.memref_slice %arg7[%dma_start3A_150, %dma_start3A_151] : memref<256x128xf32, #tpu.memory_space<vmem>> -> memref<64x128xf32, #tpu.memory_space<vmem>>
    %dma_start3A_153 = arith.constant 0 : i32
    %dma_start3A_154 = tpu.memref_slice %arg5[%add3A_148, %dma_start3A_149, %dma_start3A_153] : memref<2068x4x128xf32, #tpu.memory_space<hbm>> -> memref<64x1x128xf32, #tpu.memory_space<hbm>>
    %dma_start3A_155 = tpu.memref_squeeze %dma_start3A_154 : memref<64x1x128xf32, #tpu.memory_space<hbm>> -> memref<64x128xf32, #tpu.memory_space<hbm>>
    %dma_start3A_156 = arith.constant 0 : i32
    %dma_start3A_157 = tpu.memref_slice %arg5[%add3A_148, %dma_start3A_149, %dma_start3A_156] : memref<2068x4x128xf32, #tpu.memory_space<hbm>> -> memref<64x1x128xf32, #tpu.memory_space<hbm>>
    %dma_start3A_158 = tpu.memref_squeeze %dma_start3A_157 : memref<64x1x128xf32, #tpu.memory_space<hbm>> -> memref<64x128xf32, #tpu.memory_space<hbm>>
    %dma_start3A_159 = arith.constant 192 : i32
    %dma_start3A_160 = arith.constant 0 : i32
    %dma_start3A_161 = tpu.memref_slice %arg7[%dma_start3A_159, %dma_start3A_160] : memref<256x128xf32, #tpu.memory_space<vmem>> -> memref<64x128xf32, #tpu.memory_space<vmem>>
    tpu.enqueue_dma source(%dma_start3A_161 : memref<64x128xf32, #tpu.memory_space<vmem>>) target(%dma_start3A_158 : memref<64x128xf32, #tpu.memory_space<hbm>>) target_semaphore(%arg11 : memref<!tpu.dma_semaphore, #tpu.memory_space<semaphore_mem>>)
    %add3A_162 = arith.constant 20 : i32
    %add3A_163 = arith.addi %add3A_162, %mul3A_2 : i32
    %dma_wait3A_164 = arith.constant 0 : i32
    %dma_wait3A_165 = arith.constant 0 : i32
    %dma_wait3A_166 = arith.constant 0 : i32
    %dma_wait3A_167 = tpu.memref_slice %arg7[%dma_wait3A_165, %dma_wait3A_166] : memref<256x128xf32, #tpu.memory_space<vmem>> -> memref<64x128xf32, #tpu.memory_space<vmem>>
    %dma_wait3A_168 = arith.constant 0 : i32
    %dma_wait3A_169 = tpu.memref_slice %arg5[%add3A_163, %dma_wait3A_164, %dma_wait3A_168] : memref<2068x4x128xf32, #tpu.memory_space<hbm>> -> memref<64x1x128xf32, #tpu.memory_space<hbm>>
    %dma_wait3A_170 = tpu.memref_squeeze %dma_wait3A_169 : memref<64x1x128xf32, #tpu.memory_space<hbm>> -> memref<64x128xf32, #tpu.memory_space<hbm>>
    %dma_wait3A_171 = arith.constant 0 : i32
    %dma_wait3A_172 = tpu.memref_slice %arg5[%add3A_163, %dma_wait3A_164, %dma_wait3A_171] : memref<2068x4x128xf32, #tpu.memory_space<hbm>> -> memref<64x1x128xf32, #tpu.memory_space<hbm>>
    %dma_wait3A_173 = tpu.memref_squeeze %dma_wait3A_172 : memref<64x1x128xf32, #tpu.memory_space<hbm>> -> memref<64x128xf32, #tpu.memory_space<hbm>>
    %dma_wait3A_174 = arith.constant 0 : i32
    %dma_wait3A_175 = arith.constant 0 : i32
    %dma_wait3A_176 = tpu.memref_slice %arg7[%dma_wait3A_174, %dma_wait3A_175] : memref<256x128xf32, #tpu.memory_space<vmem>> -> memref<64x128xf32, #tpu.memory_space<vmem>>
    tpu.wait_dma2 semaphore(%arg11 : memref<!tpu.dma_semaphore, #tpu.memory_space<semaphore_mem>>) src(%dma_wait3A_176 : memref<64x128xf32, #tpu.memory_space<vmem>>) dst(%dma_wait3A_173 : memref<64x128xf32, #tpu.memory_space<hbm>>)
    %add3A_177 = arith.constant 20 : i32
    %add3A_178 = arith.addi %add3A_177, %mul3A_2 : i32
    %dma_wait3A_179 = arith.constant 1 : i32
    %dma_wait3A_180 = arith.constant 64 : i32
    %dma_wait3A_181 = arith.constant 0 : i32
    %dma_wait3A_182 = tpu.memref_slice %arg7[%dma_wait3A_180, %dma_wait3A_181] : memref<256x128xf32, #tpu.memory_space<vmem>> -> memref<64x128xf32, #tpu.memory_space<vmem>>
    %dma_wait3A_183 = arith.constant 0 : i32
    %dma_wait3A_184 = tpu.memref_slice %arg5[%add3A_178, %dma_wait3A_179, %dma_wait3A_183] : memref<2068x4x128xf32, #tpu.memory_space<hbm>> -> memref<64x1x128xf32, #tpu.memory_space<hbm>>
    %dma_wait3A_185 = tpu.memref_squeeze %dma_wait3A_184 : memref<64x1x128xf32, #tpu.memory_space<hbm>> -> memref<64x128xf32, #tpu.memory_space<hbm>>
    %dma_wait3A_186 = arith.constant 0 : i32
    %dma_wait3A_187 = tpu.memref_slice %arg5[%add3A_178, %dma_wait3A_179, %dma_wait3A_186] : memref<2068x4x128xf32, #tpu.memory_space<hbm>> -> memref<64x1x128xf32, #tpu.memory_space<hbm>>
    %dma_wait3A_188 = tpu.memref_squeeze %dma_wait3A_187 : memref<64x1x128xf32, #tpu.memory_space<hbm>> -> memref<64x128xf32, #tpu.memory_space<hbm>>
    %dma_wait3A_189 = arith.constant 64 : i32
    %dma_wait3A_190 = arith.constant 0 : i32
    %dma_wait3A_191 = tpu.memref_slice %arg7[%dma_wait3A_189, %dma_wait3A_190] : memref<256x128xf32, #tpu.memory_space<vmem>> -> memref<64x128xf32, #tpu.memory_space<vmem>>
    tpu.wait_dma2 semaphore(%arg11 : memref<!tpu.dma_semaphore, #tpu.memory_space<semaphore_mem>>) src(%dma_wait3A_191 : memref<64x128xf32, #tpu.memory_space<vmem>>) dst(%dma_wait3A_188 : memref<64x128xf32, #tpu.memory_space<hbm>>)
    %add3A_192 = arith.constant 20 : i32
    %add3A_193 = arith.addi %add3A_192, %mul3A_2 : i32
    %dma_wait3A_194 = arith.constant 2 : i32
    %dma_wait3A_195 = arith.constant 128 : i32
    %dma_wait3A_196 = arith.constant 0 : i32
    %dma_wait3A_197 = tpu.memref_slice %arg7[%dma_wait3A_195, %dma_wait3A_196] : memref<256x128xf32, #tpu.memory_space<vmem>> -> memref<64x128xf32, #tpu.memory_space<vmem>>
    %dma_wait3A_198 = arith.constant 0 : i32
    %dma_wait3A_199 = tpu.memref_slice %arg5[%add3A_193, %dma_wait3A_194, %dma_wait3A_198] : memref<2068x4x128xf32, #tpu.memory_space<hbm>> -> memref<64x1x128xf32, #tpu.memory_space<hbm>>
    %dma_wait3A_200 = tpu.memref_squeeze %dma_wait3A_199 : memref<64x1x128xf32, #tpu.memory_space<hbm>> -> memref<64x128xf32, #tpu.memory_space<hbm>>
    %dma_wait3A_201 = arith.constant 0 : i32
    %dma_wait3A_202 = tpu.memref_slice %arg5[%add3A_193, %dma_wait3A_194, %dma_wait3A_201] : memref<2068x4x128xf32, #tpu.memory_space<hbm>> -> memref<64x1x128xf32, #tpu.memory_space<hbm>>
    %dma_wait3A_203 = tpu.memref_squeeze %dma_wait3A_202 : memref<64x1x128xf32, #tpu.memory_space<hbm>> -> memref<64x128xf32, #tpu.memory_space<hbm>>
    %dma_wait3A_204 = arith.constant 128 : i32
    %dma_wait3A_205 = arith.constant 0 : i32
    %dma_wait3A_206 = tpu.memref_slice %arg7[%dma_wait3A_204, %dma_wait3A_205] : memref<256x128xf32, #tpu.memory_space<vmem>> -> memref<64x128xf32, #tpu.memory_space<vmem>>
    tpu.wait_dma2 semaphore(%arg11 : memref<!tpu.dma_semaphore, #tpu.memory_space<semaphore_mem>>) src(%dma_wait3A_206 : memref<64x128xf32, #tpu.memory_space<vmem>>) dst(%dma_wait3A_203 : memref<64x128xf32, #tpu.memory_space<hbm>>)
    %add3A_207 = arith.constant 20 : i32
    %add3A_208 = arith.addi %add3A_207, %mul3A_2 : i32
    %dma_wait3A_209 = arith.constant 3 : i32
    %dma_wait3A_210 = arith.constant 192 : i32
    %dma_wait3A_211 = arith.constant 0 : i32
    %dma_wait3A_212 = tpu.memref_slice %arg7[%dma_wait3A_210, %dma_wait3A_211] : memref<256x128xf32, #tpu.memory_space<vmem>> -> memref<64x128xf32, #tpu.memory_space<vmem>>
    %dma_wait3A_213 = arith.constant 0 : i32
    %dma_wait3A_214 = tpu.memref_slice %arg5[%add3A_208, %dma_wait3A_209, %dma_wait3A_213] : memref<2068x4x128xf32, #tpu.memory_space<hbm>> -> memref<64x1x128xf32, #tpu.memory_space<hbm>>
    %dma_wait3A_215 = tpu.memref_squeeze %dma_wait3A_214 : memref<64x1x128xf32, #tpu.memory_space<hbm>> -> memref<64x128xf32, #tpu.memory_space<hbm>>
    %dma_wait3A_216 = arith.constant 0 : i32
    %dma_wait3A_217 = tpu.memref_slice %arg5[%add3A_208, %dma_wait3A_209, %dma_wait3A_216] : memref<2068x4x128xf32, #tpu.memory_space<hbm>> -> memref<64x1x128xf32, #tpu.memory_space<hbm>>
    %dma_wait3A_218 = tpu.memref_squeeze %dma_wait3A_217 : memref<64x1x128xf32, #tpu.memory_space<hbm>> -> memref<64x128xf32, #tpu.memory_space<hbm>>
    %dma_wait3A_219 = arith.constant 192 : i32
    %dma_wait3A_220 = arith.constant 0 : i32
    %dma_wait3A_221 = tpu.memref_slice %arg7[%dma_wait3A_219, %dma_wait3A_220] : memref<256x128xf32, #tpu.memory_space<vmem>> -> memref<64x128xf32, #tpu.memory_space<vmem>>
    tpu.wait_dma2 semaphore(%arg11 : memref<!tpu.dma_semaphore, #tpu.memory_space<semaphore_mem>>) src(%dma_wait3A_221 : memref<64x128xf32, #tpu.memory_space<vmem>>) dst(%dma_wait3A_218 : memref<64x128xf32, #tpu.memory_space<hbm>>)
    return
  }
}

</mosaic_0001>

<sc_bundles>
// kernel: kernel.3.cloned.1.call-start
scs
__scs_entry_jumppad:
0x0: {  	(pc) =	sbr.rel $0x88, $3  }
0x1: {  	(tag) =	ssettag $0x0;
	lr =	simm.s32 $0x1  }
0x2: {  	[smem:$0x3F9E] =	sst lr;
	_ =	strace $0xD0000000  }
0x3: {  	_ = 	snop  }
0x4: {  	_ = 	snop  }
0x5: {  	_ = 	snop  }
0x6: {  	_ = 	snop  }
0x7: {  	_ = 	snop  }
__scs_overlays_trampoline_lowered:
0x8: {  	[smem:$0x3FAD] =	sst s0  }
0x9: {  	[smem:$0x3FAE] =	sst s1  }
0xa: {  	[smem:$0x3FAF] =	sst s2  }
0xb: {  	[smem:$0x3FB0] =	sst s3  }
0xc: {  	[smem:$0x3FB1] =	sst s4  }
0xd: {  	[smem:$0x3FB2] =	sst s5  }
0xe: {  	[smem:$0x3FB3] =	sst s6  }
0xf: {  	[smem:$0x3FB4] =	sst s7  }
0x10: {  	[smem:$0x3FB5] =	sst s8  }
0x11: {  	[smem:$0x3FB6] =	sst s9;
	s0 =	simm.s32 @!p0 $0x0  }
0x12: {  	s1 =	sld [smem:$0x3F9C];
	s0 =	simm.s32 @p0 $0x1  }
0x13: {  	[smem:$0x3FB7] =	sst s0;
	s0 =	simm.s32 @!p1 $0x0  }
0x14: {  	s2 =	sld [smem:$0x3F9B];
	s0 =	simm.s32 @p1 $0x1  }
0x15: {  	[smem:$0x3FB8] =	sst s0;
	s0 =	simm.s32 @!p2 $0x0  }
0x16: {  	s3 =	sld [smem:$0x3FDB];
	s0 =	simm.s32 @p2 $0x1  }
0x17: {  	s4 =	simm.s32 $0x1BF5;
	[smem:$0x3FBA] =	sst s0  }
0x18: {  	s0 =	sld [smem:$0x3F9D];
	_ =	swait.ge [sflag:s4], $0x0  }
0x19: {  	s7 =	sld [smem:$0x3F9E]  }
0x1a: {  	s8 =	sadd.s32 $0xFFFFE003, lr  }
0x1b: {  	s9 =	sadd.s32 $0xFFFFFEF7, lr;
	s5 =	simm.s32 $0xFFFFFFFF;
	p2 =	slt.u32 s8, $0xFFFFF086  }
0x1c: {  	p1 =	slt.u32 s9, $0xF7A;
	s5 =	simm.s32 @!p2 $0x0  }
0x1d: {  	s5 =	simm.s32 @p1 $0x1;
	p0 =	seq.s32 s7, s2  }
0x1e: {  	s7 =	smul.u32 @!p0 $0xF7A, s2;
	p2 =	seq.s32 @!p0 s5, $0x0  }
0x1f: {  	s9 =	smul.u32 $0xF7A, s1;
	s8 =	simm.s32 @!p0 $0x1BF5;
	p2 =	por !p2, p0  }
0x20: {  	[sflag:s8] =	ssyncset.s32 @!p0 $0xFFFFF086;
	s6 =	sadd.s32 @!p0 s3, s7;
	s7 =	simm.s32 @!p0 $0x108  }
0x21: {  	s3 =	sadd.s32 s3, s9;
	s6 =	sadd.s32 @!p0 $0x88, s6;
	s7 =	simm.s32 @p2 $0x1082  }
0x22: {  	[simem:s7], [sflag:s8] =	dma.local @!p0 [hbm:s6], $0xF7A  }
0x23: {  	s9 =	sor.u32 $0xD0000000, s2;
	s6 =	simm.s32 $0x108;
	_ =	swait.ge @!p0 [sflag:s8], $0x0  }
0x24: {  	s3 =	sadd.s32 $0x88, s3;
	s6 =	simm.s32 @!p1 $0x1082;
	[sflag:s4] =	ssyncset.s32 $0xFFFFF086  }
0x25: {  	[simem:s6], [sflag:s4] =	dma.local [hbm:s3], $0xF7A  }
0x26: {  	[smem:$0x3F9E] =	sst s1;
	(tag) =	ssettag s2;
	_ =	strace s9  }
0x27: {  	s1 =	sld [smem:$0x3FAE]  }
0x28: {  	s2 =	sld [smem:$0x3FAF]  }
0x29: {  	s4 =	sld [smem:$0x3FB1]  }
0x2a: {  	p0 =	seq.s32 s5, $0x0;
	s5 =	sld [smem:$0x3FB2]  }
0x2b: {  	s6 =	sld [smem:$0x3FB3]  }
0x2c: {  	s7 =	sld [smem:$0x3FB4]  }
0x2d: {  	s3 =	simm.s32 $0x108;
	s8 =	sld [smem:$0x3FB5]  }
0x2e: {  	s3 =	simm.s32 @!p0 $0x1082;
	s9 =	sld [smem:$0x3FB6]  }
0x2f: {  	lr =	sadd.s32 s0, s3;
	s0 =	sld [smem:$0x3FAD]  }
0x30: {  	s3 =	sld [smem:$0x3FB0]  }
0x31: {  	[smem:$0x3FB9] =	sst s10  }
0x32: {  	s10 =	sld [smem:$0x3FB7];
	_ =	sdelay $0x3  }
0x33: {  	p0 =	seq.s32 s10, $0x1;
	s10 =	sld [smem:$0x3FB9];
	_ =	sdelay $0x3  }
0x34: {  	[smem:$0x3FB9] =	sst s10  }
0x35: {  	s10 =	sld [smem:$0x3FB8];
	_ =	sdelay $0x3  }
0x36: {  	p1 =	seq.s32 s10, $0x1;
	s10 =	sld [smem:$0x3FB9];
	_ =	sdelay $0x3  }
0x37: {  	[smem:$0x3FB9] =	sst s10  }
0x38: {  	s10 =	sld [smem:$0x3FBA]  }
0x39: {  	_ = 	snop;
	(pc) =	sbr.ind lr, $3  }
0x3a: {  	_ = 	snop  }
0x3b: {  	_ = 	snop  }
0x3c: {  	p2 =	seq.s32 s10, $0x1;
	s10 =	sld [smem:$0x3FB9]  }
0x3d: {  	_ =	shalt  }
0x3e: {  	_ =	shalt  }
0x3f: {  	_ =	shalt  }
0x40: {  	_ =	shalt  }
0x41: {  	_ =	shalt  }
0x42: {  	_ =	shalt  }
0x43: {  	_ =	shalt  }
0x44: {  	_ =	shalt  }
0x45: {  	_ =	shalt  }
0x46: {  	_ =	shalt  }
0x47: {  	_ =	shalt  }
0x48: {  	_ =	shalt  }
0x49: {  	_ =	shalt  }
0x4a: {  	_ =	shalt  }
0x4b: {  	_ =	shalt  }
0x4c: {  	_ =	shalt  }
0x4d: {  	_ =	shalt  }
0x4e: {  	_ =	shalt  }
0x4f: {  	_ =	shalt  }
0x50: {  	_ =	shalt  }
0x51: {  	_ =	shalt  }
0x52: {  	_ =	shalt  }
0x53: {  	_ =	shalt  }
0x54: {  	_ =	shalt  }
0x55: {  	_ =	shalt  }
0x56: {  	_ =	shalt  }
0x57: {  	_ =	shalt  }
0x58: {  	_ =	shalt  }
0x59: {  	_ =	shalt  }
0x5a: {  	_ =	shalt  }
0x5b: {  	_ =	shalt  }
0x5c: {  	_ =	shalt  }
0x5d: {  	_ =	shalt  }
0x5e: {  	_ =	shalt  }
0x5f: {  	_ =	shalt  }
0x60: {  	_ =	shalt  }
0x61: {  	_ =	shalt  }
0x62: {  	_ =	shalt  }
0x63: {  	_ =	shalt  }
0x64: {  	_ =	shalt  }
0x65: {  	_ =	shalt  }
0x66: {  	_ =	shalt  }
0x67: {  	_ =	shalt  }
0x68: {  	_ =	shalt  }
0x69: {  	_ =	shalt  }
0x6a: {  	_ =	shalt  }
0x6b: {  	_ =	shalt  }
0x6c: {  	_ =	shalt  }
0x6d: {  	_ =	shalt  }
0x6e: {  	_ =	shalt  }
0x6f: {  	_ =	shalt  }
0x70: {  	_ =	shalt  }
0x71: {  	_ =	shalt  }
0x72: {  	_ =	shalt  }
0x73: {  	_ =	shalt  }
0x74: {  	_ =	shalt  }
0x75: {  	_ =	shalt  }
0x76: {  	_ =	shalt  }
0x77: {  	_ =	shalt  }
0x78: {  	_ =	shalt  }
0x79: {  	_ =	shalt  }
0x7a: {  	_ =	shalt  }
0x7b: {  	_ =	shalt  }
0x7c: {  	_ =	shalt  }
0x7d: {  	_ =	shalt  }
0x7e: {  	_ =	shalt  }
0x7f: {  	_ =	shalt  }
0x80: {  	_ =	shalt  }
0x81: {  	_ =	shalt  }
0x82: {  	_ =	shalt  }
0x83: {  	_ =	shalt  }
0x84: {  	_ =	shalt  }
0x85: {  	_ =	shalt  }
0x86: {  	_ =	shalt  }
0x87: {  	_ =	shalt  }
.Lfunc_end0:
.L_simem_size_0:
called_computation_lowered:
.L_overlay_start_0:
0x88: {  	s2 =	sld [smem:$0x3FD9]  }
0x89: {  	s3 =	sld [smem:$0x3FFE];
	_ =	sdelay $0x1  }
0x8a: {  	s1 =	srdreg.scid  }
0x8b: {  	s0 =	sand.u32 $0x1, s1  }
0x8c: {  	s18 =	sshll.u32 s0, $0xA;
	s2 =	sadd.s32 s3, s2  }
0x8d: {  	s2 =	sadd.s32 s2, s18  }
0x8e: {  	[smem:$0x3FC5] =	sst s2  }
0x8f: {  	_ = 	snop  }
0x90: {  	s2 =	sld [smem:$0x3FC9]  }
0x91: {  	s19 =	sld [smem:$0x3FC8]  }
0x92: {  	s4 =	sld [smem:$0x3FC7]  }
0x93: {  	s5 =	sld [smem:$0x3FD0];
	(tm) =	ssettm $0x1  }
0x94: {  	s6 =	sld [smem:$0x3FFB];
	_ =	sdelay $0x3  }
0x95: {  	_ =	strace s6  }
0x96: {  	s6 =	sld [smem:$0x3FFC];
	_ =	sdelay $0x3  }
0x97: {  	_ =	strace s6  }
0x98: {  	s6 =	sld [smem:$0x3FFD];
	_ =	sdelay $0x3  }
0x99: {  	_ =	strace s6  }
0x9a: {  	_ =	strace $0x8FFFFFFF  }
0x9b: {  	s20 =	sld [smem:$0x3FDB];
	_ =	sdelay $0x1  }
0x9c: {  	s7 =	simm.s32 $_scs_section_size  }
0x9d: {  	s8 =	simm.s32 $_size__tile_overlayer_lowered;
	s9 =	simm.s32 $_tile_overlayer_lowered  }
0x9e: {  	s23 =	simm.s32 $0x1BFF;
	s22 =	sshll.u32 s9, $0x1;
	s6 =	sadd.s32 s7, s20  }
0x9f: {  	s10 =	simm.s32 $0x0;
	s21 =	sshll.u32 s8, $0x1;
	s8 =	sadd.s32 s22, s6  }
0xa0: {  	[timem:s10], [sflag:s23] =	dma.local [hbm:s8], s21  }
0xa1: {  	_ =	swait.ge [sflag:s23], s21  }
0xa2: {  	s7 =	ssub.s32 $0x0, s21;
	[sflag:s23] =	ssyncset.done $0x0  }
0xa3: {  	[sflag:s23] =	ssyncadd.s32 s7;
	_ =	sdelay $0x1  }
0xa4: {  	s24 =	simm.s32 $0x1B8B  }
0xa5: {  	_ =	swait.ge [sflag:s24], $0x1  }
0xa6: {  	[sflag:s24] =	ssyncset.done $0x0  }
0xa7: {  	s25 =	simm.s32 $0x1B8E;
	[sflag:s24] =	ssyncadd.s32 $0xFFFFFFFF  }
0xa8: {  	s26 =	simm.s32 $execute0_lowered;
	[smem:$0x3FD2] =	sst s25  }
0xa9: {  	s7 =	sshll.u32 s26, $0x1;
	_ =	strace $0x80000046;
	[dreg:$0x1] =	wrdreg $0xFFFFFFFF  }
0xaa: {  	s28 =	simm.s32 $_size_execute0_lowered;
	s6 =	sadd.s32 s6, s7;
	[dreg:$0x0] =	wrdreg $0x0  }
0xab: {  	s7 =	sshll.u32 s28, $0x1;
	[dreg:$0x2] =	wrdreg s6  }
0xac: {  	[dreg:$0x3] =	wrdreg s7  }
0xad: {  	[dreg:$0x4] =	wrdreg $0xC0  }
0xae: {  	_ =	task [dreg:s10], $0x5FFFF  }
0xaf: {  	[dreg:$0x1] =	wrdreg $0xFFFFFFFF  }
0xb0: {  	[dreg:$0x0] =	wrdreg $0x60  }
0xb1: {  	[dreg:$0x2] =	wrdreg s2  }
0xb2: {  	[dreg:$0x3] =	wrdreg s19  }
0xb3: {  	[dreg:$0x4] =	wrdreg s4  }
0xb4: {  	[dreg:$0x5] =	wrdreg s5  }
0xb5: {  	[dreg:$0x6] =	wrdreg $0x9  }
0xb6: {  	_ =	task.clear_ibuf [dreg:s10], $0x7FFFF;
	_ =	strace $0x90000046  }
0xb7: {  	s29 =	simm.s32 $0x9;
	_ =	strace $0x80000048  }
0xb8: {  	_ =	swait.ge [sflag:s29], $0x1  }
0xb9: {  	[sflag:s29] =	ssyncadd.s32 $0xFFFFFFFF  }
0xba: {  	_ =	strace $0x90000048  }
0xbb: {  	_ =	sfence  }
0xbc: {  	s30 =	sld [smem:$0x0];
	_ =	sdelay $0x2  }
0xbd: {  	s31 =	sshll.u32 s1, $0xD;
	s1 =	sshrl.u32 s1, $0x2  }
0xbe: {  	s3 =	sand.u32 $0x4000, s31;
	s1 =	sadd.s32 s1, s30  }
0xbf: {  	s0 =	sor.u32 s3, s0;
	s1 =	sshll.u32 s1, $0x11  }
0xc0: {  	s0 =	sor.u32 s1, s0  }
0xc1: {  	s0 =	sadd.s32 $0x8F2B, s0  }
0xc2: {  	[sflag:s0] =	ssyncadd.remote.s32 $0x1  }
0xc3: {  	_ =	sfence.sel $0xFFFF  }
0xc4: {  	[dreg:$0x0] =	wrdreg $0xFFFFFFFF;
	(pc) =	sbr.abs _section_cstart, $3  }
0xc5: {  	[dreg:$0x1] =	wrdreg $0xFFFFFFFF  }
0xc6: {  	_ =	task.clear_ibuf [dreg:s10], $0x2FFFF;
	_ =	strace $0x9FFFFFFF  }
0xc7: {  	(tm) =	ssettm $0x7FFFFFFF  }
tec
execute0_lowered:
.L_overlay_start_1:
0x0: {  	(tag) =	ssettag $0x1  }
0x1: {  	s1 =	srdreg.scid;
	s0 =	stileid.u32  }
0x2: {  	s29 =	sand.u32 $0x1, s1;
	s31 =	sshll.u32 s0, $0x1  }
0x3: {  	s22 =	sor.u32 s29, s31  }
0x4: {  	p1 =	seq.s32 s29, $0x1;
	p0 =	seq.s32 s22, $0x0  }
0x5: {  	p0 =	por !p0, !p1  }
0x6: {  	s2 =	simm.s32 $0x1;
	s4 =	rddreg [dreg:$0x0];
	p0 =	por !p0, !p0  }
0x7: {  	s10 =	rddreg [dreg:$0x2];
	s2 =	simm.s32 @!p0 $0x0  }
0x8: {  	s23 =	rddreg [dreg:$0x3];
	s2 =	ssub.s32 s0, s2  }
0x9: {  	s7 =	simm.s32 $0x4;
	s17 =	sshll.u32 s22, $0x6;
	s3 =	sshll.u32 s2, $0x7  }
0xa: {  	s1 =	rddreg [dreg:$0x1];
	s5 =	sshll.u32 s2, $0x9;
	s6 =	ssub.s32 s17, s3  }
0xb: {  	s2 =	rddreg [dreg:$0x4];
	s3 =	simm.s32 $0x0;
	s5 =	sadd.s32 s5, s6  }
0xc: {  	[smem:$0x7FF] =	sst s3;
	s6 =	simm.s32 $0x80;
	s5 =	sshrl.u32 s5, $0x3  }
0xd: {  	_ =	strace $0x80000047;
	s4 =	sadd.s32 s4, s5;
	s5 =	simm.s32 $0x40  }
0xe: {  	[tilespmem:s3], [sflag:$0x4] =	stream.strided.gather [hbm4b:s4+s5], $0x100, s6, s5, $0x38;
	[tilespmem:$0x8180] =	vst v63  }
0xf: {  	_ =	swait.ge [sflag:s7], $0x100  }
0x10: {  	[sflag:s7] =	ssyncset.done $0x0  }
0x11: {  	s8 =	simm.s32 $0x100;
	[sflag:s7] =	ssyncadd.s32 $0xFFFFFF00  }
0x12: {  	[tilespmem:s8], [sflag:$0x1] =	stream.indirect.gather [hbm4b:s1+s5], $0x80, s3, s5, $0xb8;
	[tilespmem:$0x8180] =	vst v63  }
0x13: {  	s9 =	simm.s32 $0x2100;
	s11 =	sshll.u32 s22, $0x4  }
0x14: {  	[tilespmem:s9], [sflag:$0x1] =	stream.indirect.gather [hbm4b:s1+s5], $0x80, s5, s5, $0xb8;
	[tilespmem:$0x8180] =	vst v63  }
0x15: {  	s10 =	sadd.s32 s10, s11;
	s11 =	simm.s32 $0x4100  }
0x16: {  	[tilespmem:s11], [sflag:$0x1] =	stream.indirect.gather [hbm4b:s1+s5], $0x80, s6, s5, $0xb8;
	[tilespmem:$0x8180] =	vst v63  }
0x17: {  	s12 =	simm.s32 $0xC0;
	s13 =	simm.s32 $0x6100;
	p0 =	sgt.u32 s0, $0x9  }
0x18: {  	[tilespmem:s13], [sflag:$0x1] =	stream.indirect.gather [hbm4b:s1+s5], $0x80, s12, s5, $0xb8;
	[tilespmem:$0x8180] =	vst v63  }
0x19: {  	s14 =	simm.s32 @!p0 $0x0;
	s15 =	simm.s32 @!p0 $0x8100;
	s16 =	simm.s32 @!p0 $0x2  }
0x1a: {  	[tilespmem:s15], [sflag:$0x2] =	stream.linear.gather @!p0 [hbm4b:s10+s14], $0x80, $0x38;
	[tilespmem:$0x8180] =	vst v63  }
0x1b: {  	_ =	swait.ge @!p0 [sflag:s16], $0x80  }
0x1c: {  	[sflag:s16] =	ssyncset.done @!p0 $0x0  }
0x1d: {  	s17 =	sadd.s32 s23, s17;
	[sflag:s16] =	ssyncadd.s32 @!p0 $0xFFFFFF80  }
0x1e: {  	[hbm4b:s17+s14] =	stream.linear.scatter @!p0 [tilespmem:s15], [sflag:$0x2], $0x80, $0x38;
	[tilespmem:$0x8180] =	vst v63  }
0x1f: {  	s18 =	sadd.s32 $0x10, s17  }
0x20: {  	[hbm4b:s18+s14] =	stream.linear.scatter @!p0 [tilespmem:s15], [sflag:$0x2], $0x80, $0x38;
	[tilespmem:$0x8180] =	vst v63  }
0x21: {  	s19 =	sadd.s32 $0x20, s17  }
0x22: {  	[hbm4b:s19+s14] =	stream.linear.scatter @!p0 [tilespmem:s15], [sflag:$0x2], $0x80, $0x38;
	[tilespmem:$0x8180] =	vst v63  }
0x23: {  	s20 =	sadd.s32 $0x30, s17  }
0x24: {  	[hbm4b:s20+s14] =	stream.linear.scatter @!p0 [tilespmem:s15], [sflag:$0x2], $0x80, $0x38;
	[tilespmem:$0x8180] =	vst v63  }
0x25: {  	_ =	swait.ge @!p0 [sflag:s16], $0x80  }
0x26: {  	[sflag:s16] =	ssyncset.done @!p0 $0x0  }
0x27: {  	[sflag:s16] =	ssyncadd.s32 @!p0 $0xFFFFFF80  }
0x28: {  	_ =	swait.ge @!p0 [sflag:s16], $0x80  }
0x29: {  	[sflag:s16] =	ssyncset.done @!p0 $0x0  }
0x2a: {  	[sflag:s16] =	ssyncadd.s32 @!p0 $0xFFFFFF80  }
0x2b: {  	_ =	swait.ge @!p0 [sflag:s16], $0x80  }
0x2c: {  	[sflag:s16] =	ssyncset.done @!p0 $0x0  }
0x2d: {  	[sflag:s16] =	ssyncadd.s32 @!p0 $0xFFFFFF80  }
0x2e: {  	_ =	swait.ge @!p0 [sflag:s16], $0x80  }
0x2f: {  	[sflag:s16] =	ssyncset.done @!p0 $0x0  }
0x30: {  	s21 =	simm.s32 $0x1;
	[sflag:s16] =	ssyncadd.s32 @!p0 $0xFFFFFF80  }
0x31: {  	s22 =	sshll.u32 s22, $0xC;
	_ =	swait.ge [sflag:s21], $0x2000  }
0x32: {  	s26 =	sadd.s32 s22, s23;
	[sflag:s21] =	ssyncset.done $0x0  }
0x33: {  	s22 =	sadd.s32 $0x500, s26;
	s23 =	simm.s32 $0x200;
	[sflag:s21] =	ssyncadd.s32 $0xFFFFE000  }
0x34: {  	[hbm4b:s22+s6] =	stream.strided.scatter [tilespmem:s8], [sflag:$0x3], $0x2000, s23, s6, $0x38;
	[tilespmem:$0x8180] =	vst v63  }
0x35: {  	_ =	swait.ge [sflag:s21], $0x2000  }
0x36: {  	[sflag:s21] =	ssyncset.done $0x0  }
0x37: {  	s24 =	sadd.s32 $0x510, s26;
	[sflag:s21] =	ssyncadd.s32 $0xFFFFE000  }
0x38: {  	[hbm4b:s24+s6] =	stream.strided.scatter [tilespmem:s9], [sflag:$0x3], $0x2000, s23, s6, $0x38;
	[tilespmem:$0x8180] =	vst v63  }
0x39: {  	_ =	swait.ge [sflag:s21], $0x2000  }
0x3a: {  	[sflag:s21] =	ssyncset.done $0x0  }
0x3b: {  	s25 =	sadd.s32 $0x520, s26;
	[sflag:s21] =	ssyncadd.s32 $0xFFFFE000  }
0x3c: {  	[hbm4b:s25+s6] =	stream.strided.scatter [tilespmem:s11], [sflag:$0x3], $0x2000, s23, s6, $0x38;
	[tilespmem:$0x8180] =	vst v63  }
0x3d: {  	_ =	swait.ge [sflag:s21], $0x2000  }
0x3e: {  	[sflag:s21] =	ssyncset.done $0x0  }
0x3f: {  	s28 =	simm.s32 $0x3;
	s26 =	sadd.s32 $0x530, s26;
	[sflag:s21] =	ssyncadd.s32 $0xFFFFE000  }
0x40: {  	[hbm4b:s26+s6] =	stream.strided.scatter [tilespmem:s13], [sflag:$0x3], $0x2000, s23, s6, $0x38;
	[tilespmem:$0x8180] =	vst v63  }
0x41: {  	s29 =	ssub.s32 $0x2, s29;
	_ =	swait.ge [sflag:s28], $0x2000  }
0x42: {  	s30 =	sshrl.u32 s29, $0x1;
	[sflag:s28] =	ssyncset.done $0x0  }
0x43: {  	s29 =	ssub.s32 s29, s30;
	[sflag:s28] =	ssyncadd.s32 $0xFFFFE000  }
0x44: {  	s29 =	smax.u32 s29, $0x1;
	_ =	swait.ge [sflag:s28], $0x2000  }
0x45: {  	s29 =	sadd.s32 $0xFFFFFFFF, s29;
	[sflag:s28] =	ssyncset.done $0x0  }
0x46: {  	p1 =	sne.s32 s29, $0x0;
	[sflag:s28] =	ssyncadd.s32 $0xFFFFE000  }
.Ltmp0:
0x47: {  	_ =	swait.ge [sflag:s28], $0x2000;
	(pc) =	sbr.rel @!p1 .LBB2_2-.Ltmp0, $4  }
0x48: {  	[sflag:s28] =	ssyncset.done $0x0  }
0x49: {  	[sflag:s28] =	ssyncadd.s32 $0xFFFFE000  }
0x4a: {  	_ =	swait.ge [sflag:s28], $0x2000  }
0x4b: {  	[sflag:s28] =	ssyncset.done $0x0  }
.LBB2_1:
0x4c: {  	s29 =	sadd.s32 $0xFFFFFFFF, s29;
	[sflag:s28] =	ssyncadd.s32 $0xFFFFE000  }
0x4d: {  	[tilespmem:s3], [sflag:$0x4] =	stream.strided.gather [hbm4b:s4+s5], $0x100, s6, s5, $0x38;
	[tilespmem:$0x8180] =	vst v63  }
0x4e: {  	p1 =	sne.s32 s29, $0x0;
	_ =	swait.ge [sflag:s7], $0x100  }
0x4f: {  	[sflag:s7] =	ssyncset.done $0x0  }
0x50: {  	[sflag:s7] =	ssyncadd.s32 $0xFFFFFF00  }
0x51: {  	[tilespmem:s8], [sflag:$0x1] =	stream.indirect.gather [hbm4b:s1+s5], $0x80, s3, s5, $0xb8;
	[tilespmem:$0x8180] =	vst v63  }
0x52: {  	_ = 	snop  }
0x53: {  	[tilespmem:s9], [sflag:$0x1] =	stream.indirect.gather [hbm4b:s1+s5], $0x80, s5, s5, $0xb8;
	[tilespmem:$0x8180] =	vst v63  }
0x54: {  	_ = 	snop  }
0x55: {  	[tilespmem:s11], [sflag:$0x1] =	stream.indirect.gather [hbm4b:s1+s5], $0x80, s6, s5, $0xb8;
	[tilespmem:$0x8180] =	vst v63  }
0x56: {  	_ = 	snop  }
0x57: {  	[tilespmem:s13], [sflag:$0x1] =	stream.indirect.gather [hbm4b:s1+s5], $0x80, s12, s5, $0xb8;
	[tilespmem:$0x8180] =	vst v63  }
0x58: {  	_ = 	snop  }
0x59: {  	[tilespmem:s15], [sflag:$0x2] =	stream.linear.gather @!p0 [hbm4b:s10+s14], $0x80, $0x38;
	[tilespmem:$0x8180] =	vst v63  }
0x5a: {  	_ =	swait.ge @!p0 [sflag:s16], $0x80  }
0x5b: {  	[sflag:s16] =	ssyncset.done @!p0 $0x0  }
0x5c: {  	[sflag:s16] =	ssyncadd.s32 @!p0 $0xFFFFFF80  }
0x5d: {  	[hbm4b:s17+s14] =	stream.linear.scatter @!p0 [tilespmem:s15], [sflag:$0x2], $0x80, $0x38;
	[tilespmem:$0x8180] =	vst v63  }
0x5e: {  	_ = 	snop  }
0x5f: {  	[hbm4b:s18+s14] =	stream.linear.scatter @!p0 [tilespmem:s15], [sflag:$0x2], $0x80, $0x38;
	[tilespmem:$0x8180] =	vst v63  }
0x60: {  	_ = 	snop  }
0x61: {  	[hbm4b:s19+s14] =	stream.linear.scatter @!p0 [tilespmem:s15], [sflag:$0x2], $0x80, $0x38;
	[tilespmem:$0x8180] =	vst v63  }
0x62: {  	_ = 	snop  }
0x63: {  	[hbm4b:s20+s14] =	stream.linear.scatter @!p0 [tilespmem:s15], [sflag:$0x2], $0x80, $0x38;
	[tilespmem:$0x8180] =	vst v63  }
0x64: {  	_ =	swait.ge @!p0 [sflag:s16], $0x80  }
0x65: {  	[sflag:s16] =	ssyncset.done @!p0 $0x0  }
0x66: {  	[sflag:s16] =	ssyncadd.s32 @!p0 $0xFFFFFF80  }
0x67: {  	_ =	swait.ge @!p0 [sflag:s16], $0x80  }
0x68: {  	[sflag:s16] =	ssyncset.done @!p0 $0x0  }
0x69: {  	[sflag:s16] =	ssyncadd.s32 @!p0 $0xFFFFFF80  }
0x6a: {  	_ =	swait.ge @!p0 [sflag:s16], $0x80  }
0x6b: {  	[sflag:s16] =	ssyncset.done @!p0 $0x0  }
0x6c: {  	[sflag:s16] =	ssyncadd.s32 @!p0 $0xFFFFFF80  }
0x6d: {  	_ =	swait.ge @!p0 [sflag:s16], $0x80  }
0x6e: {  	[sflag:s16] =	ssyncset.done @!p0 $0x0  }
0x6f: {  	[sflag:s16] =	ssyncadd.s32 @!p0 $0xFFFFFF80  }
0x70: {  	_ =	swait.ge [sflag:s21], $0x2000  }
0x71: {  	[sflag:s21] =	ssyncset.done $0x0  }
0x72: {  	[sflag:s21] =	ssyncadd.s32 $0xFFFFE000  }
0x73: {  	[hbm4b:s22+s6] =	stream.strided.scatter [tilespmem:s8], [sflag:$0x3], $0x2000, s23, s6, $0x38;
	[tilespmem:$0x8180] =	vst v63  }
0x74: {  	_ =	swait.ge [sflag:s21], $0x2000  }
0x75: {  	[sflag:s21] =	ssyncset.done $0x0  }
0x76: {  	[sflag:s21] =	ssyncadd.s32 $0xFFFFE000  }
0x77: {  	[hbm4b:s24+s6] =	stream.strided.scatter [tilespmem:s9], [sflag:$0x3], $0x2000, s23, s6, $0x38;
	[tilespmem:$0x8180] =	vst v63  }
0x78: {  	_ =	swait.ge [sflag:s21], $0x2000  }
0x79: {  	[sflag:s21] =	ssyncset.done $0x0  }
0x7a: {  	[sflag:s21] =	ssyncadd.s32 $0xFFFFE000  }
0x7b: {  	[hbm4b:s25+s6] =	stream.strided.scatter [tilespmem:s11], [sflag:$0x3], $0x2000, s23, s6, $0x38;
	[tilespmem:$0x8180] =	vst v63  }
0x7c: {  	_ =	swait.ge [sflag:s21], $0x2000  }
0x7d: {  	[sflag:s21] =	ssyncset.done $0x0  }
0x7e: {  	[sflag:s21] =	ssyncadd.s32 $0xFFFFE000  }
0x7f: {  	[hbm4b:s26+s6] =	stream.strided.scatter [tilespmem:s13], [sflag:$0x3], $0x2000, s23, s6, $0x38;
	[tilespmem:$0x8180] =	vst v63  }
0x80: {  	_ =	swait.ge [sflag:s28], $0x2000  }
0x81: {  	[sflag:s28] =	ssyncset.done $0x0  }
0x82: {  	[sflag:s28] =	ssyncadd.s32 $0xFFFFE000  }
0x83: {  	_ =	swait.ge [sflag:s28], $0x2000  }
0x84: {  	[sflag:s28] =	ssyncset.done $0x0  }
0x85: {  	[sflag:s28] =	ssyncadd.s32 $0xFFFFE000  }
.Ltmp1:
0x86: {  	_ =	swait.ge [sflag:s28], $0x2000;
	(pc) =	sbr.rel @p1 .LBB2_1-.Ltmp1, $4  }
0x87: {  	[sflag:s28] =	ssyncset.done $0x0  }
0x88: {  	[sflag:s28] =	ssyncadd.s32 $0xFFFFE000  }
0x89: {  	_ =	swait.ge [sflag:s28], $0x2000  }
0x8a: {  	[sflag:s28] =	ssyncset.done $0x0  }
.LBB2_2:
0x8b: {  	[sflag:s28] =	ssyncadd.s32 $0xFFFFE000  }
0x8c: {  	_ =	sfence.sel $0x180000  }
0x8d: {  	[bflag:$0x0] =	sbarrier.arrive $0xFFFF  }
0x8e: {  	p0 =	sne.s32 s0, $0x0;
	_ =	strace $0x90000047  }
0x8f: {  	s0 =	sadd.s32 @!p0 $0x100000, s2;
	[bflag:$0x2] =	sbarrier.arrive $0xFFFF  }
0x90: {  	[sflag:s0] =	ssyncadd.tile.s32 @!p0 $0x1;
	_ =	shalt  }
.Lfunc_end2:
_tile_overlayer_lowered:
.L_overlay_start_2:
0x91: {  	(tag) =	ssettag $0x2  }
0x92: {  	s0 =	rddreg [dreg:$0x0];
	s2 =	stileid.u32  }
0x93: {  	s1 =	rddreg [dreg:$0x1];
	p0 =	sne.s32 s2, $0x0  }
0x94: {  	s3 =	rddreg [dreg:$0x2];
	[bflag:$0x3] =	sbarrier.arrive $0xFFFF;
	s2 =	simm.s32 @!p0 $0x1C04  }
0x95: {  	[timem:s3], [sflag:s2] =	dma.local @!p0 [hbm:s0], s1  }
0x96: {  	s0 =	simm.s32 @!p0 $0x4  }
0x97: {  	_ =	swait.ge @!p0 [sflag:s0], s1  }
0x98: {  	s1 =	ssub.s32 @!p0 $0x0, s1;
	[sflag:s0] =	ssyncset.done @!p0 $0x0  }
0x99: {  	[sflag:s0] =	ssyncadd.s32 @!p0 s1  }
0x9a: {  	[bflag:$0x3] =	sbarrier.arrive $0xFFFF  }
0x9b: {  	_ =	shalt  }

</sc_bundles>
